<compile_context>
chip_gen: v7x
topology: tpu7x:2x2x1
jax: 0.10.2.dev20260603
libtpu: 0.0.44.dev20260713+nightly
codegen_flags: <defaults>
</compile_context>

<pallas_src>
import functools

import jax
import jax.numpy as jnp
from jax import lax
from jax.experimental import pallas as pl
from jax.experimental.pallas import tpu as pltpu
from jax.experimental.pallas import tpu_sc as plsc

_N_E = 1024
_D = 64
_COST = 0.25


def _vq_body(n_rows, tile, sub, grid,
             x_hbm, e_ref,
             dist_ref, idx_ref, enc_ref, loss_ref, perp_ref,
             cnt_acc, loss_acc, x_buf, x_sem):
    i = pl.program_id(0)

    @pl.when(i == 0)
    def _init():
        cnt_acc[...] = jnp.zeros_like(cnt_acc)
        loss_acc[0] = 0.0
        pltpu.make_async_copy(x_hbm.at[0], x_buf.at[0], x_sem.at[0]).start()

    @pl.when(i + 1 < grid)
    def _next():
        pltpu.make_async_copy(x_hbm.at[i + 1], x_buf.at[(i + 1) % 2],
                              x_sem.at[(i + 1) % 2]).start()

    slot = i % 2
    pltpu.make_async_copy(x_hbm.at[i], x_buf.at[slot], x_sem.at[slot]).wait()
    e = e_ref[...]
    esq = jnp.sum(e * e, axis=0, keepdims=True)
    colf = jax.lax.broadcasted_iota(
        jnp.int32, (sub, _N_E), 1).astype(jnp.float32)
    for j in range(tile // sub):
        xt = x_buf[slot, j]
        xsq = jnp.reshape(jnp.sum(xt * xt, axis=0, keepdims=True), (sub, 1))
        mm = jax.lax.dot_general(xt, e, (((0,), (0,)), ((), ())),
                                 precision=jax.lax.Precision.DEFAULT)
        dist = (xsq - 2.0 * mm) + esq
        dist_ref[pl.ds(j * sub, sub), :] = dist

        m = jnp.min(dist, axis=1, keepdims=True)
        idxf = jnp.min(jnp.where(dist == m, colf, 2048.0),
                       axis=1, keepdims=True)
        idx_ref[0, :, pl.ds(j * sub, sub)] = jnp.reshape(
            idxf.astype(jnp.int32), (1, sub))

        enc = jnp.where(colf == idxf, 1.0, 0.0).astype(jnp.float32)
        enc_ref[pl.ds(j * sub, sub), :] = enc

        cnt_acc[...] += jnp.sum(enc, axis=0, keepdims=True)
        loss_acc[0] += jnp.sum(m)

    @pl.when(i == grid - 1)
    def _fin():
        total = loss_acc[0]
        loss_ref[0, 0] = (1.0 + _COST) * (total / float(n_rows * _D))
        avg = cnt_acc[...] * (1.0 / float(n_rows))
        ent = jnp.sum(avg * jnp.log(avg + 1e-10))
        perp_ref[0, 0] = jnp.exp(-ent)


def _make_sc_gather(n_rows):
    info = plsc.get_sparse_core_info()
    nc, ns = info.num_cores, info.num_subcores
    nw = nc * ns
    bpw = n_rows // nw
    chunks = [128] * (bpw // 128)
    if bpw % 128:
        chunks.append(bpw % 128)
    mesh = plsc.VectorSubcoreMesh(core_axis_name="c", subcore_axis_name="s")

    @functools.partial(
        pl.kernel, mesh=mesh,
        out_type=jax.ShapeDtypeStruct((n_rows, 128), jnp.float32),
        scratch_types=[
            pltpu.VMEM((bpw,), jnp.int32),
            pltpu.VMEM((bpw, 128), jnp.float32),
            pltpu.SemaphoreType.DMA,
        ],
    )
    def sc_gather(table_hbm, idx_hbm, out_hbm, idx_v, rows_v, sem):
        wid = lax.axis_index("s") * nc + lax.axis_index("c")
        base = wid * bpw
        pltpu.sync_copy(idx_hbm.at[pl.ds(base, bpw)], idx_v)
        copies = []
        off = 0
        for n in chunks:
            copies.append(pltpu.async_copy(
                table_hbm.at[idx_v.at[pl.ds(off, n)]],
                rows_v.at[pl.ds(off, n)], sem))
            off += n
        for c in copies:
            c.wait()
        pltpu.sync_copy(rows_v, out_hbm.at[pl.ds(base, bpw)])

    return sc_gather


def kernel(inputs, context, embeddings):
    del context
    b, s = inputs.shape[0], inputs.shape[1]
    n_rows = b * s
    tile = 2 * s
    sub = s
    grid = n_rows // tile
    xt4 = jnp.reshape(jnp.swapaxes(inputs, 1, 2), (grid, 2, _D, s))

    out_shapes = (
        jax.ShapeDtypeStruct((n_rows, _N_E), jnp.float32),
        jax.ShapeDtypeStruct((grid, 1, tile), jnp.int32),
        jax.ShapeDtypeStruct((n_rows, _N_E), jnp.float32),
        jax.ShapeDtypeStruct((1, 1), jnp.float32),
        jax.ShapeDtypeStruct((1, 1), jnp.float32),
    )
    dist, idx3, enc, loss, perp = pl.pallas_call(
        functools.partial(_vq_body, n_rows, tile, sub, grid),
        grid=(grid,),
        in_specs=[
            pl.BlockSpec(memory_space=pltpu.MemorySpace.HBM),
            pl.BlockSpec((_D, _N_E), lambda i: (0, 0)),
        ],
        out_specs=[
            pl.BlockSpec((tile, _N_E), lambda i: (i, 0)),
            pl.BlockSpec((1, 1, tile), lambda i: (i, 0, 0)),
            pl.BlockSpec((tile, _N_E), lambda i: (i, 0)),
            pl.BlockSpec(memory_space=pltpu.SMEM),
            pl.BlockSpec(memory_space=pltpu.SMEM),
        ],
        out_shape=out_shapes,
        scratch_shapes=[
            pltpu.VMEM((1, _N_E), jnp.float32),
            pltpu.SMEM((1,), jnp.float32),
            pltpu.VMEM((2, 2, _D, sub), jnp.float32),
            pltpu.SemaphoreType.DMA((2,)),
        ],
    )(xt4, embeddings)

    idx_flat = jnp.reshape(idx3, (n_rows,))
    table = jnp.swapaxes(embeddings, 0, 1)
    table128 = jnp.pad(table, ((0, 0), (0, 128 - _D)))
    q128 = _make_sc_gather(n_rows)(table128, idx_flat)

    quantized = jnp.reshape(q128[:, :_D], inputs.shape)
    encoding_indices = jnp.reshape(idx3, (b, s))
    return (quantized, jnp.reshape(loss, ()), jnp.reshape(perp, ()),
            enc, encoding_indices, dist)

# --- scband reference (transcript-rebuilt; emitter-appended) ---
"""Pipeline reference for scband-vector-quantizer-58798102282860 (READ-ONLY COPY).

The authoritative reference and input builder live on the scoring server;
editing this copy changes nothing except your own understanding.
"""

import jax, jax.numpy as jnp
import numpy as np

N_EMBEDDING = 1024
EMBEDDING_DIM = 64
COMMITMENT_COST = 0.25


def setup_inputs(seed: int = 0) -> dict:
    key = jax.random.key(seed)
    k1, k2 = jax.random.split(key)
    inputs = jax.random.normal(k1, (32, 576, EMBEDDING_DIM), dtype=jnp.float32)
    context = jnp.zeros((1,), dtype=jnp.float32)
    # variance_scaling(1.0, 'fan_in', 'uniform') on shape (embedding_dim, n_embedding):
    # fan_in = embedding_dim, limit = sqrt(3 * scale / fan_in)
    limit = float(np.sqrt(3.0 / EMBEDDING_DIM))
    embeddings = jax.random.uniform(k2, (EMBEDDING_DIM, N_EMBEDDING), dtype=jnp.float32, minval=-limit, maxval=limit)
    return {"inputs": inputs, "context": context, "embeddings": embeddings}


def reference(inputs, context, embeddings):
    flat_inputs = jnp.reshape(inputs, [-1, EMBEDDING_DIM])
    distances = (jnp.sum(jnp.square(flat_inputs), 1, keepdims=True)
                 - 2 * jnp.matmul(flat_inputs, embeddings)
                 + jnp.sum(jnp.square(embeddings), 0, keepdims=True))
    encoding_indices_flat = jnp.argmax(-distances, 1)
    encodings = jax.nn.one_hot(encoding_indices_flat, N_EMBEDDING, dtype=distances.dtype)
    encoding_indices = jnp.reshape(encoding_indices_flat, inputs.shape[:-1])
    w = embeddings.swapaxes(1, 0)
    quantized = w[encoding_indices,]
    e_latent_loss = jnp.mean(jnp.square(jax.lax.stop_gradient(quantized) - inputs))
    q_latent_loss = jnp.mean(jnp.square(quantized - jax.lax.stop_gradient(inputs)))
    loss = q_latent_loss + COMMITMENT_COST * e_latent_loss
    quantized = inputs + jax.lax.stop_gradient(quantized - inputs)
    avg_probs = jnp.mean(encodings, 0)
    perplexity = jnp.exp(-jnp.sum(avg_probs * jnp.log(avg_probs + 1e-10)))
    return (quantized, loss, perplexity, encodings, encoding_indices, distances)

if __name__ == "__main__":
    import jax
    _d = setup_inputs()
    print(jax.jit(kernel)(*tuple(_d.values())))

</pallas_src>

<mosaic_0001>
#map = affine_map<(d0, d1) -> (0, 0)>
#map1 = affine_map<(d0, d1) -> (0)>
module attributes {stable_mosaic.version = 14 : i64} {
  func.func @sc_gather(%arg0: i32, %arg1: i32, %arg2: memref<1024x128xf32, #tpu.memory_space<hbm>>, %arg3: memref<18432xi32, #tpu.memory_space<hbm>>, %arg4: memref<18432x128xf32, #tpu.memory_space<hbm>>, %arg5: memref<576xi32, #tpu.memory_space<vmem>>, %arg6: memref<576x128xf32, #tpu.memory_space<vmem>>, %arg7: memref<!tpu.dma_semaphore, #tpu.memory_space<semaphore_mem>>) attributes {dimension_semantics = [#tpu.dimension_semantics<core_parallel>, #tpu.dimension_semantics<subcore_parallel>], iteration_bounds = array<i64: 2, 16>, scalar_prefetch = 0 : i64, scratch_operands = 3 : i64, tpu.core_type = #tpu.core_type<sc_vector_subcore>, window_params = [{transform_indices = #map}, {transform_indices = #map1}, {transform_indices = #map}]} {
    %mul3A = arith.constant 2 : i32
    %mul3A_0 = arith.muli %arg1, %mul3A : i32
    %add3A = arith.addi %mul3A_0, %arg0 : i32
    %mul3A_1 = arith.constant 576 : i32
    %mul3A_2 = arith.muli %add3A, %mul3A_1 : i32
    "tpu.region"() ({
      %run_scoped3A = tpu.sem_alloc : memref<!tpu.dma_semaphore, #tpu.memory_space<semaphore_mem>>
      %dma_start3A_81 = tpu.memref_slice %arg3[%mul3A_2] : memref<18432xi32, #tpu.memory_space<hbm>> -> memref<576xi32, #tpu.memory_space<hbm>>
      %dma_start3A_82 = tpu.memref_slice %arg3[%mul3A_2] : memref<18432xi32, #tpu.memory_space<hbm>> -> memref<576xi32, #tpu.memory_space<hbm>>
      tpu.enqueue_dma source(%dma_start3A_82 : memref<576xi32, #tpu.memory_space<hbm>>) target(%arg5 : memref<576xi32, #tpu.memory_space<vmem>>) target_semaphore(%run_scoped3A : memref<!tpu.dma_semaphore, #tpu.memory_space<semaphore_mem>>)
      %dma_wait3A_83 = tpu.memref_slice %arg3[%mul3A_2] : memref<18432xi32, #tpu.memory_space<hbm>> -> memref<576xi32, #tpu.memory_space<hbm>>
      %dma_wait3A_84 = tpu.memref_slice %arg3[%mul3A_2] : memref<18432xi32, #tpu.memory_space<hbm>> -> memref<576xi32, #tpu.memory_space<hbm>>
      tpu.wait_dma2 semaphore(%run_scoped3A : memref<!tpu.dma_semaphore, #tpu.memory_space<semaphore_mem>>) src(%dma_wait3A_84 : memref<576xi32, #tpu.memory_space<hbm>>) dst(%arg5 : memref<576xi32, #tpu.memory_space<vmem>>)
      tpu.yield
    }) : () -> ()
    %dma_start3A = arith.constant 0 : i32
    %dma_start3A_3 = arith.constant 0 : i32
    %dma_start3A_4 = tpu.memref_slice %arg6[%dma_start3A, %dma_start3A_3] : memref<576x128xf32, #tpu.memory_space<vmem>> -> memref<128x128xf32, #tpu.memory_space<vmem>>
    %dma_start3A_5 = arith.constant 0 : i32
    %dma_start3A_6 = tpu.memref_slice %arg5[%dma_start3A_5] : memref<576xi32, #tpu.memory_space<vmem>> -> memref<128xi32, #tpu.memory_space<vmem>>
    %dma_start3A_7 = arith.constant 0 : i32
    %dma_start3A_8 = arith.constant 0 : i32
    %dma_start3A_9 = tpu.memref_slice %arg2[%dma_start3A_7, %dma_start3A_8] : memref<1024x128xf32, #tpu.memory_space<hbm>> -> memref<1024x128xf32, #tpu.memory_space<hbm>>
    tpu.enqueue_indirect_dma source(%dma_start3A_9 : memref<1024x128xf32, #tpu.memory_space<hbm>>) target(%dma_start3A_4 : memref<128x128xf32, #tpu.memory_space<vmem>>) offsets(%dma_start3A_6 : memref<128xi32, #tpu.memory_space<vmem>>) semaphore(%arg7 : memref<!tpu.dma_semaphore, #tpu.memory_space<semaphore_mem>>)
    %dma_start3A_10 = arith.constant 128 : i32
    %dma_start3A_11 = arith.constant 0 : i32
    %dma_start3A_12 = tpu.memref_slice %arg6[%dma_start3A_10, %dma_start3A_11] : memref<576x128xf32, #tpu.memory_space<vmem>> -> memref<128x128xf32, #tpu.memory_space<vmem>>
    %dma_start3A_13 = arith.constant 128 : i32
    %dma_start3A_14 = tpu.memref_slice %arg5[%dma_start3A_13] : memref<576xi32, #tpu.memory_space<vmem>> -> memref<128xi32, #tpu.memory_space<vmem>>
    %dma_start3A_15 = arith.constant 0 : i32
    %dma_start3A_16 = arith.constant 0 : i32
    %dma_start3A_17 = tpu.memref_slice %arg2[%dma_start3A_15, %dma_start3A_16] : memref<1024x128xf32, #tpu.memory_space<hbm>> -> memref<1024x128xf32, #tpu.memory_space<hbm>>
    tpu.enqueue_indirect_dma source(%dma_start3A_17 : memref<1024x128xf32, #tpu.memory_space<hbm>>) target(%dma_start3A_12 : memref<128x128xf32, #tpu.memory_space<vmem>>) offsets(%dma_start3A_14 : memref<128xi32, #tpu.memory_space<vmem>>) semaphore(%arg7 : memref<!tpu.dma_semaphore, #tpu.memory_space<semaphore_mem>>)
    %dma_start3A_18 = arith.constant 256 : i32
    %dma_start3A_19 = arith.constant 0 : i32
    %dma_start3A_20 = tpu.memref_slice %arg6[%dma_start3A_18, %dma_start3A_19] : memref<576x128xf32, #tpu.memory_space<vmem>> -> memref<128x128xf32, #tpu.memory_space<vmem>>
    %dma_start3A_21 = arith.constant 256 : i32
    %dma_start3A_22 = tpu.memref_slice %arg5[%dma_start3A_21] : memref<576xi32, #tpu.memory_space<vmem>> -> memref<128xi32, #tpu.memory_space<vmem>>
    %dma_start3A_23 = arith.constant 0 : i32
    %dma_start3A_24 = arith.constant 0 : i32
    %dma_start3A_25 = tpu.memref_slice %arg2[%dma_start3A_23, %dma_start3A_24] : memref<1024x128xf32, #tpu.memory_space<hbm>> -> memref<1024x128xf32, #tpu.memory_space<hbm>>
    tpu.enqueue_indirect_dma source(%dma_start3A_25 : memref<1024x128xf32, #tpu.memory_space<hbm>>) target(%dma_start3A_20 : memref<128x128xf32, #tpu.memory_space<vmem>>) offsets(%dma_start3A_22 : memref<128xi32, #tpu.memory_space<vmem>>) semaphore(%arg7 : memref<!tpu.dma_semaphore, #tpu.memory_space<semaphore_mem>>)
    %dma_start3A_26 = arith.constant 384 : i32
    %dma_start3A_27 = arith.constant 0 : i32
    %dma_start3A_28 = tpu.memref_slice %arg6[%dma_start3A_26, %dma_start3A_27] : memref<576x128xf32, #tpu.memory_space<vmem>> -> memref<128x128xf32, #tpu.memory_space<vmem>>
    %dma_start3A_29 = arith.constant 384 : i32
    %dma_start3A_30 = tpu.memref_slice %arg5[%dma_start3A_29] : memref<576xi32, #tpu.memory_space<vmem>> -> memref<128xi32, #tpu.memory_space<vmem>>
    %dma_start3A_31 = arith.constant 0 : i32
    %dma_start3A_32 = arith.constant 0 : i32
    %dma_start3A_33 = tpu.memref_slice %arg2[%dma_start3A_31, %dma_start3A_32] : memref<1024x128xf32, #tpu.memory_space<hbm>> -> memref<1024x128xf32, #tpu.memory_space<hbm>>
    tpu.enqueue_indirect_dma source(%dma_start3A_33 : memref<1024x128xf32, #tpu.memory_space<hbm>>) target(%dma_start3A_28 : memref<128x128xf32, #tpu.memory_space<vmem>>) offsets(%dma_start3A_30 : memref<128xi32, #tpu.memory_space<vmem>>) semaphore(%arg7 : memref<!tpu.dma_semaphore, #tpu.memory_space<semaphore_mem>>)
    %dma_start3A_34 = arith.constant 512 : i32
    %dma_start3A_35 = arith.constant 0 : i32
    %dma_start3A_36 = tpu.memref_slice %arg6[%dma_start3A_34, %dma_start3A_35] : memref<576x128xf32, #tpu.memory_space<vmem>> -> memref<64x128xf32, #tpu.memory_space<vmem>>
    %dma_start3A_37 = arith.constant 512 : i32
    %dma_start3A_38 = tpu.memref_slice %arg5[%dma_start3A_37] : memref<576xi32, #tpu.memory_space<vmem>> -> memref<64xi32, #tpu.memory_space<vmem>>
    %dma_start3A_39 = arith.constant 0 : i32
    %dma_start3A_40 = arith.constant 0 : i32
    %dma_start3A_41 = tpu.memref_slice %arg2[%dma_start3A_39, %dma_start3A_40] : memref<1024x128xf32, #tpu.memory_space<hbm>> -> memref<1024x128xf32, #tpu.memory_space<hbm>>
    tpu.enqueue_indirect_dma source(%dma_start3A_41 : memref<1024x128xf32, #tpu.memory_space<hbm>>) target(%dma_start3A_36 : memref<64x128xf32, #tpu.memory_space<vmem>>) offsets(%dma_start3A_38 : memref<64xi32, #tpu.memory_space<vmem>>) semaphore(%arg7 : memref<!tpu.dma_semaphore, #tpu.memory_space<semaphore_mem>>)
    %dma_wait3A = arith.constant 0 : i32
    %dma_wait3A_42 = arith.constant 0 : i32
    %dma_wait3A_43 = tpu.memref_slice %arg6[%dma_wait3A, %dma_wait3A_42] : memref<576x128xf32, #tpu.memory_space<vmem>> -> memref<128x128xf32, #tpu.memory_space<vmem>>
    %dma_wait3A_44 = arith.constant 0 : i32
    %dma_wait3A_45 = tpu.memref_slice %arg5[%dma_wait3A_44] : memref<576xi32, #tpu.memory_space<vmem>> -> memref<128xi32, #tpu.memory_space<vmem>>
    %dma_wait3A_46 = arith.constant 0 : i32
    %dma_wait3A_47 = arith.constant 0 : i32
    %dma_wait3A_48 = tpu.memref_slice %arg2[%dma_wait3A_46, %dma_wait3A_47] : memref<1024x128xf32, #tpu.memory_space<hbm>> -> memref<1024x128xf32, #tpu.memory_space<hbm>>
    tpu.wait_indirect_dma semaphore(%arg7 : memref<!tpu.dma_semaphore, #tpu.memory_space<semaphore_mem>>) src(%dma_wait3A_48 : memref<1024x128xf32, #tpu.memory_space<hbm>>) dst(%dma_wait3A_43 : memref<128x128xf32, #tpu.memory_space<vmem>>)
    %dma_wait3A_49 = arith.constant 128 : i32
    %dma_wait3A_50 = arith.constant 0 : i32
    %dma_wait3A_51 = tpu.memref_slice %arg6[%dma_wait3A_49, %dma_wait3A_50] : memref<576x128xf32, #tpu.memory_space<vmem>> -> memref<128x128xf32, #tpu.memory_space<vmem>>
    %dma_wait3A_52 = arith.constant 128 : i32
    %dma_wait3A_53 = tpu.memref_slice %arg5[%dma_wait3A_52] : memref<576xi32, #tpu.memory_space<vmem>> -> memref<128xi32, #tpu.memory_space<vmem>>
    %dma_wait3A_54 = arith.constant 0 : i32
    %dma_wait3A_55 = arith.constant 0 : i32
    %dma_wait3A_56 = tpu.memref_slice %arg2[%dma_wait3A_54, %dma_wait3A_55] : memref<1024x128xf32, #tpu.memory_space<hbm>> -> memref<1024x128xf32, #tpu.memory_space<hbm>>
    tpu.wait_indirect_dma semaphore(%arg7 : memref<!tpu.dma_semaphore, #tpu.memory_space<semaphore_mem>>) src(%dma_wait3A_56 : memref<1024x128xf32, #tpu.memory_space<hbm>>) dst(%dma_wait3A_51 : memref<128x128xf32, #tpu.memory_space<vmem>>)
    %dma_wait3A_57 = arith.constant 256 : i32
    %dma_wait3A_58 = arith.constant 0 : i32
    %dma_wait3A_59 = tpu.memref_slice %arg6[%dma_wait3A_57, %dma_wait3A_58] : memref<576x128xf32, #tpu.memory_space<vmem>> -> memref<128x128xf32, #tpu.memory_space<vmem>>
    %dma_wait3A_60 = arith.constant 256 : i32
    %dma_wait3A_61 = tpu.memref_slice %arg5[%dma_wait3A_60] : memref<576xi32, #tpu.memory_space<vmem>> -> memref<128xi32, #tpu.memory_space<vmem>>
    %dma_wait3A_62 = arith.constant 0 : i32
    %dma_wait3A_63 = arith.constant 0 : i32
    %dma_wait3A_64 = tpu.memref_slice %arg2[%dma_wait3A_62, %dma_wait3A_63] : memref<1024x128xf32, #tpu.memory_space<hbm>> -> memref<1024x128xf32, #tpu.memory_space<hbm>>
    tpu.wait_indirect_dma semaphore(%arg7 : memref<!tpu.dma_semaphore, #tpu.memory_space<semaphore_mem>>) src(%dma_wait3A_64 : memref<1024x128xf32, #tpu.memory_space<hbm>>) dst(%dma_wait3A_59 : memref<128x128xf32, #tpu.memory_space<vmem>>)
    %dma_wait3A_65 = arith.constant 384 : i32
    %dma_wait3A_66 = arith.constant 0 : i32
    %dma_wait3A_67 = tpu.memref_slice %arg6[%dma_wait3A_65, %dma_wait3A_66] : memref<576x128xf32, #tpu.memory_space<vmem>> -> memref<128x128xf32, #tpu.memory_space<vmem>>
    %dma_wait3A_68 = arith.constant 384 : i32
    %dma_wait3A_69 = tpu.memref_slice %arg5[%dma_wait3A_68] : memref<576xi32, #tpu.memory_space<vmem>> -> memref<128xi32, #tpu.memory_space<vmem>>
    %dma_wait3A_70 = arith.constant 0 : i32
    %dma_wait3A_71 = arith.constant 0 : i32
    %dma_wait3A_72 = tpu.memref_slice %arg2[%dma_wait3A_70, %dma_wait3A_71] : memref<1024x128xf32, #tpu.memory_space<hbm>> -> memref<1024x128xf32, #tpu.memory_space<hbm>>
    tpu.wait_indirect_dma semaphore(%arg7 : memref<!tpu.dma_semaphore, #tpu.memory_space<semaphore_mem>>) src(%dma_wait3A_72 : memref<1024x128xf32, #tpu.memory_space<hbm>>) dst(%dma_wait3A_67 : memref<128x128xf32, #tpu.memory_space<vmem>>)
    %dma_wait3A_73 = arith.constant 512 : i32
    %dma_wait3A_74 = arith.constant 0 : i32
    %dma_wait3A_75 = tpu.memref_slice %arg6[%dma_wait3A_73, %dma_wait3A_74] : memref<576x128xf32, #tpu.memory_space<vmem>> -> memref<64x128xf32, #tpu.memory_space<vmem>>
    %dma_wait3A_76 = arith.constant 512 : i32
    %dma_wait3A_77 = tpu.memref_slice %arg5[%dma_wait3A_76] : memref<576xi32, #tpu.memory_space<vmem>> -> memref<64xi32, #tpu.memory_space<vmem>>
    %dma_wait3A_78 = arith.constant 0 : i32
    %dma_wait3A_79 = arith.constant 0 : i32
    %dma_wait3A_80 = tpu.memref_slice %arg2[%dma_wait3A_78, %dma_wait3A_79] : memref<1024x128xf32, #tpu.memory_space<hbm>> -> memref<1024x128xf32, #tpu.memory_space<hbm>>
    tpu.wait_indirect_dma semaphore(%arg7 : memref<!tpu.dma_semaphore, #tpu.memory_space<semaphore_mem>>) src(%dma_wait3A_80 : memref<1024x128xf32, #tpu.memory_space<hbm>>) dst(%dma_wait3A_75 : memref<64x128xf32, #tpu.memory_space<vmem>>)
    "tpu.region"() ({
      %run_scoped3A = tpu.sem_alloc : memref<!tpu.dma_semaphore, #tpu.memory_space<semaphore_mem>>
      %dma_start3A_81 = arith.constant 0 : i32
      %dma_start3A_82 = tpu.memref_slice %arg4[%mul3A_2, %dma_start3A_81] : memref<18432x128xf32, #tpu.memory_space<hbm>> -> memref<576x128xf32, #tpu.memory_space<hbm>>
      %dma_start3A_83 = arith.constant 0 : i32
      %dma_start3A_84 = tpu.memref_slice %arg4[%mul3A_2, %dma_start3A_83] : memref<18432x128xf32, #tpu.memory_space<hbm>> -> memref<576x128xf32, #tpu.memory_space<hbm>>
      tpu.enqueue_dma source(%arg6 : memref<576x128xf32, #tpu.memory_space<vmem>>) target(%dma_start3A_84 : memref<576x128xf32, #tpu.memory_space<hbm>>) target_semaphore(%run_scoped3A : memref<!tpu.dma_semaphore, #tpu.memory_space<semaphore_mem>>)
      %dma_wait3A_85 = arith.constant 0 : i32
      %dma_wait3A_86 = tpu.memref_slice %arg4[%mul3A_2, %dma_wait3A_85] : memref<18432x128xf32, #tpu.memory_space<hbm>> -> memref<576x128xf32, #tpu.memory_space<hbm>>
      %dma_wait3A_87 = arith.constant 0 : i32
      %dma_wait3A_88 = tpu.memref_slice %arg4[%mul3A_2, %dma_wait3A_87] : memref<18432x128xf32, #tpu.memory_space<hbm>> -> memref<576x128xf32, #tpu.memory_space<hbm>>
      tpu.wait_dma2 semaphore(%run_scoped3A : memref<!tpu.dma_semaphore, #tpu.memory_space<semaphore_mem>>) src(%arg6 : memref<576x128xf32, #tpu.memory_space<vmem>>) dst(%dma_wait3A_88 : memref<576x128xf32, #tpu.memory_space<hbm>>)
      tpu.yield
    }) : () -> ()
    return
  }
}

module attributes {stable_mosaic.version = 14 : i64} {
  func.func @_vq_body(%arg0: i32, %arg1: memref<16x2x64x576xf32, #tpu.memory_space<hbm>>, %arg2: memref<64x1024xf32, #tpu.memory_space<vmem>>, %arg3: memref<1152x1024xf32, #tpu.memory_space<vmem>>, %arg4: memref<1x1x1152xi32, #tpu.memory_space<vmem>>, %arg5: memref<1152x1024xf32, #tpu.memory_space<vmem>>, %arg6: memref<1x1xf32, #tpu.memory_space<smem>>, %arg7: memref<1x1xf32, #tpu.memory_space<smem>>, %arg8: memref<1x1024xf32, #tpu.memory_space<vmem>>, %arg9: memref<1xf32, #tpu.memory_space<smem>>, %arg10: memref<2x2x64x576xf32, #tpu.memory_space<vmem>>, %arg11: memref<2x!tpu.dma_semaphore, #tpu.memory_space<semaphore_mem>>) attributes {dimension_semantics = [#tpu.dimension_semantics<arbitrary>], iteration_bounds = array<i64: 16>, scalar_prefetch = 0 : i64, scratch_operands = 4 : i64, tpu.core_type = #tpu.core_type<tc>, window_params = [{}, {pipeline_mode = #tpu.pipeline_mode<synchronous>, transform_indices = @transform_1, window_bounds = array<i64: 64, 1024>}, {transform_indices = @transform_2, window_bounds = array<i64: 1152, 1024>}, {transform_indices = @transform_3, window_bounds = array<i64: 1, 1, 1152>}, {transform_indices = @transform_4, window_bounds = array<i64: 1152, 1024>}, {transform_indices = @transform_5, window_bounds = array<i64: 1, 1>}, {transform_indices = @transform_6, window_bounds = array<i64: 1, 1>}]} {
    %eq3A = arith.constant 0 : i32
    %eq3A_0 = arith.cmpi eq, %arg0, %eq3A : i32
    %convert_element_type3A = arith.extui %eq3A_0 : i1 to i32
    %cond3A = arith.constant 0 : i32
    %cond3A_1 = arith.cmpi ne, %convert_element_type3A, %cond3A : i32
    scf.if %cond3A_1 {
      %broadcast_in_dim3A_177 = arith.constant 0.000000e+00 : f32
      %broadcast_in_dim3A_178 = vector.broadcast %broadcast_in_dim3A_177 : f32 to vector<1x1024xf32>
      %swap3A_179 = arith.constant 0 : index
      %swap3A_180 = arith.constant 0 : index
      %swap3A_181 = vector.load %arg8[%swap3A_179, %swap3A_180] : memref<1x1024xf32, #tpu.memory_space<vmem>>, vector<1x1024xf32>
      tpu.vector_store %arg8[%swap3A_179, %swap3A_180], %broadcast_in_dim3A_178 {strides = array<i32>} : memref<1x1024xf32, #tpu.memory_space<vmem>>, vector<1x1024xf32>,
      %swap3A_182 = arith.constant 0.000000e+00 : f32
      %swap3A_183 = arith.constant 0 : index
      %swap3A_184 = memref.load %arg9[%swap3A_183] : memref<1xf32, #tpu.memory_space<smem>>
      memref.store %swap3A_182, %arg9[%swap3A_183] : memref<1xf32, #tpu.memory_space<smem>>
      %dma_start3A = arith.constant 0 : i32
      %dma_start3A_185 = arith.constant 0 : i32
      %dma_start3A_186 = arith.constant 0 : i32
      %dma_start3A_187 = tpu.memref_slice %arg11[%dma_start3A_186] : memref<2x!tpu.dma_semaphore, #tpu.memory_space<semaphore_mem>> -> memref<1x!tpu.dma_semaphore, #tpu.memory_space<semaphore_mem>>
      %dma_start3A_188 = tpu.memref_squeeze %dma_start3A_187 : memref<1x!tpu.dma_semaphore, #tpu.memory_space<semaphore_mem>> -> memref<!tpu.dma_semaphore, #tpu.memory_space<semaphore_mem>>
      %dma_start3A_189 = arith.constant 0 : i32
      %dma_start3A_190 = arith.constant 0 : i32
      %dma_start3A_191 = arith.constant 0 : i32
      %dma_start3A_192 = tpu.memref_slice %arg10[%dma_start3A_185, %dma_start3A_189, %dma_start3A_190, %dma_start3A_191] : memref<2x2x64x576xf32, #tpu.memory_space<vmem>> -> memref<1x2x64x576xf32, #tpu.memory_space<vmem>>
      %dma_start3A_193 = tpu.memref_squeeze %dma_start3A_192 : memref<1x2x64x576xf32, #tpu.memory_space<vmem>> -> memref<2x64x576xf32, #tpu.memory_space<vmem>>
      %dma_start3A_194 = arith.constant 0 : i32
      %dma_start3A_195 = arith.constant 0 : i32
      %dma_start3A_196 = arith.constant 0 : i32
      %dma_start3A_197 = tpu.memref_slice %arg1[%dma_start3A, %dma_start3A_194, %dma_start3A_195, %dma_start3A_196] : memref<16x2x64x576xf32, #tpu.memory_space<hbm>> -> memref<1x2x64x576xf32, #tpu.memory_space<hbm>>
      %dma_start3A_198 = tpu.memref_squeeze %dma_start3A_197 : memref<1x2x64x576xf32, #tpu.memory_space<hbm>> -> memref<2x64x576xf32, #tpu.memory_space<hbm>>
      tpu.enqueue_dma source(%dma_start3A_198 : memref<2x64x576xf32, #tpu.memory_space<hbm>>) target(%dma_start3A_193 : memref<2x64x576xf32, #tpu.memory_space<vmem>>) target_semaphore(%dma_start3A_188 : memref<!tpu.dma_semaphore, #tpu.memory_space<semaphore_mem>>)
    } else {
    }
    %add3A = arith.constant 1 : i32
    %add3A_2 = arith.addi %arg0, %add3A : i32
    %lt3A = arith.constant 16 : i32
    %lt3A_3 = arith.cmpi slt, %add3A_2, %lt3A : i32
    %convert_element_type3A_4 = arith.extui %lt3A_3 : i1 to i32
    %cond3A_5 = arith.constant 0 : i32
    %cond3A_6 = arith.cmpi ne, %convert_element_type3A_4, %cond3A_5 : i32
    scf.if %cond3A_6 {
      %add3A_177 = arith.constant 1 : i32
      %add3A_178 = arith.addi %arg0, %add3A_177 : i32
      %add3A_179 = arith.constant 1 : i32
      %add3A_180 = arith.addi %arg0, %add3A_179 : i32
      %jit3A_181 = arith.constant 2 : i32
      %eq3A_182 = arith.constant 0 : i32
      %eq3A_183 = arith.cmpi eq, %jit3A_181, %eq3A_182 : i32
      %jit3A_184 = arith.constant 1 : i32
      %select_n3A_185 = arith.select %eq3A_183, %jit3A_184, %jit3A_181 : i32
      %rem3A_186 = arith.remsi %add3A_180, %select_n3A_185 : i32
      %ne3A_187 = arith.constant 0 : i32
      %ne3A_188 = arith.cmpi ne, %rem3A_186, %ne3A_187 : i32
      %lt3A_189 = arith.constant 0 : i32
      %lt3A_190 = arith.cmpi slt, %rem3A_186, %lt3A_189 : i32
      %lt3A_191 = arith.constant 0 : i32
      %lt3A_192 = arith.cmpi slt, %select_n3A_185, %lt3A_191 : i32
      %ne3A_193 = arith.xori %lt3A_190, %lt3A_192 : i1
      %and3A_194 = arith.andi %ne3A_193, %ne3A_188 : i1
      %add3A_195 = arith.addi %rem3A_186, %select_n3A_185 : i32
      %select_n3A_196 = arith.select %and3A_194, %add3A_195, %rem3A_186 : i32
      %add3A_197 = arith.constant 1 : i32
      %add3A_198 = arith.addi %arg0, %add3A_197 : i32
      %jit3A_199 = arith.constant 2 : i32
      %eq3A_200 = arith.constant 0 : i32
      %eq3A_201 = arith.cmpi eq, %jit3A_199, %eq3A_200 : i32
      %jit3A_202 = arith.constant 1 : i32
      %select_n3A_203 = arith.select %eq3A_201, %jit3A_202, %jit3A_199 : i32
      %rem3A_204 = arith.remsi %add3A_198, %select_n3A_203 : i32
      %ne3A_205 = arith.constant 0 : i32
      %ne3A_206 = arith.cmpi ne, %rem3A_204, %ne3A_205 : i32
      %lt3A_207 = arith.constant 0 : i32
      %lt3A_208 = arith.cmpi slt, %rem3A_204, %lt3A_207 : i32
      %lt3A_209 = arith.constant 0 : i32
      %lt3A_210 = arith.cmpi slt, %select_n3A_203, %lt3A_209 : i32
      %ne3A_211 = arith.xori %lt3A_208, %lt3A_210 : i1
      %and3A_212 = arith.andi %ne3A_211, %ne3A_206 : i1
      %add3A_213 = arith.addi %rem3A_204, %select_n3A_203 : i32
      %select_n3A_214 = arith.select %and3A_212, %add3A_213, %rem3A_204 : i32
      %dma_start3A = tpu.memref_slice %arg11[%select_n3A_214] : memref<2x!tpu.dma_semaphore, #tpu.memory_space<semaphore_mem>> -> memref<1x!tpu.dma_semaphore, #tpu.memory_space<semaphore_mem>>
      %dma_start3A_215 = tpu.memref_squeeze %dma_start3A : memref<1x!tpu.dma_semaphore, #tpu.memory_space<semaphore_mem>> -> memref<!tpu.dma_semaphore, #tpu.memory_space<semaphore_mem>>
      %dma_start3A_216 = arith.constant 0 : i32
      %dma_start3A_217 = arith.constant 0 : i32
      %dma_start3A_218 = arith.constant 0 : i32
      %dma_start3A_219 = tpu.memref_slice %arg10[%select_n3A_196, %dma_start3A_216, %dma_start3A_217, %dma_start3A_218] : memref<2x2x64x576xf32, #tpu.memory_space<vmem>> -> memref<1x2x64x576xf32, #tpu.memory_space<vmem>>
      %dma_start3A_220 = tpu.memref_squeeze %dma_start3A_219 : memref<1x2x64x576xf32, #tpu.memory_space<vmem>> -> memref<2x64x576xf32, #tpu.memory_space<vmem>>
      %dma_start3A_221 = arith.constant 0 : i32
      %dma_start3A_222 = arith.constant 0 : i32
      %dma_start3A_223 = arith.constant 0 : i32
      %dma_start3A_224 = tpu.memref_slice %arg1[%add3A_178, %dma_start3A_221, %dma_start3A_222, %dma_start3A_223] : memref<16x2x64x576xf32, #tpu.memory_space<hbm>> -> memref<1x2x64x576xf32, #tpu.memory_space<hbm>>
      %dma_start3A_225 = tpu.memref_squeeze %dma_start3A_224 : memref<1x2x64x576xf32, #tpu.memory_space<hbm>> -> memref<2x64x576xf32, #tpu.memory_space<hbm>>
      tpu.enqueue_dma source(%dma_start3A_225 : memref<2x64x576xf32, #tpu.memory_space<hbm>>) target(%dma_start3A_220 : memref<2x64x576xf32, #tpu.memory_space<vmem>>) target_semaphore(%dma_start3A_215 : memref<!tpu.dma_semaphore, #tpu.memory_space<semaphore_mem>>)
    } else {
    }
    %jit3A = arith.constant 2 : i32
    %eq3A_7 = arith.constant 0 : i32
    %eq3A_8 = arith.cmpi eq, %jit3A, %eq3A_7 : i32
    %jit3A_9 = arith.constant 1 : i32
    %select_n3A = arith.select %eq3A_8, %jit3A_9, %jit3A : i32
    %rem3A = arith.remsi %arg0, %select_n3A : i32
    %ne3A = arith.constant 0 : i32
    %ne3A_10 = arith.cmpi ne, %rem3A, %ne3A : i32
    %lt3A_11 = arith.constant 0 : i32
    %lt3A_12 = arith.cmpi slt, %rem3A, %lt3A_11 : i32
    %lt3A_13 = arith.constant 0 : i32
    %lt3A_14 = arith.cmpi slt, %select_n3A, %lt3A_13 : i32
    %ne3A_15 = arith.xori %lt3A_12, %lt3A_14 : i1
    %and3A = arith.andi %ne3A_15, %ne3A_10 : i1
    %add3A_16 = arith.addi %rem3A, %select_n3A : i32
    %select_n3A_17 = arith.select %and3A, %add3A_16, %rem3A : i32
    %dma_wait3A = tpu.memref_slice %arg11[%select_n3A_17] : memref<2x!tpu.dma_semaphore, #tpu.memory_space<semaphore_mem>> -> memref<1x!tpu.dma_semaphore, #tpu.memory_space<semaphore_mem>>
    %dma_wait3A_18 = tpu.memref_squeeze %dma_wait3A : memref<1x!tpu.dma_semaphore, #tpu.memory_space<semaphore_mem>> -> memref<!tpu.dma_semaphore, #tpu.memory_space<semaphore_mem>>
    %dma_wait3A_19 = arith.constant 0 : i32
    %dma_wait3A_20 = arith.constant 0 : i32
    %dma_wait3A_21 = arith.constant 0 : i32
    %dma_wait3A_22 = tpu.memref_slice %arg10[%select_n3A_17, %dma_wait3A_19, %dma_wait3A_20, %dma_wait3A_21] : memref<2x2x64x576xf32, #tpu.memory_space<vmem>> -> memref<1x2x64x576xf32, #tpu.memory_space<vmem>>
    %dma_wait3A_23 = tpu.memref_squeeze %dma_wait3A_22 : memref<1x2x64x576xf32, #tpu.memory_space<vmem>> -> memref<2x64x576xf32, #tpu.memory_space<vmem>>
    %dma_wait3A_24 = arith.constant 0 : i32
    %dma_wait3A_25 = arith.constant 0 : i32
    %dma_wait3A_26 = arith.constant 0 : i32
    %dma_wait3A_27 = tpu.memref_slice %arg1[%arg0, %dma_wait3A_24, %dma_wait3A_25, %dma_wait3A_26] : memref<16x2x64x576xf32, #tpu.memory_space<hbm>> -> memref<1x2x64x576xf32, #tpu.memory_space<hbm>>
    %dma_wait3A_28 = tpu.memref_squeeze %dma_wait3A_27 : memref<1x2x64x576xf32, #tpu.memory_space<hbm>> -> memref<2x64x576xf32, #tpu.memory_space<hbm>>
    tpu.wait_dma2 semaphore(%dma_wait3A_18 : memref<!tpu.dma_semaphore, #tpu.memory_space<semaphore_mem>>) src(%dma_wait3A_28 : memref<2x64x576xf32, #tpu.memory_space<hbm>>) dst(%dma_wait3A_23 : memref<2x64x576xf32, #tpu.memory_space<vmem>>)
    %get3A = arith.constant 0 : index
    %get3A_29 = arith.constant 0 : index
    %get3A_30 = vector.load %arg2[%get3A, %get3A_29] : memref<64x1024xf32, #tpu.memory_space<vmem>>, vector<64x1024xf32>
    %mul3A = arith.mulf %get3A_30, %get3A_30 : vector<64x1024xf32>
    %reduce_sum3A = arith.constant dense<0.000000e+00> : vector<1024xf32>
    %reduce_sum3A_31 = vector.multi_reduction <add>, %mul3A, %reduce_sum3A [0] : vector<64x1024xf32> to vector<1024xf32>
    %broadcast_in_dim3A = vector.shape_cast %reduce_sum3A_31 : vector<1024xf32> to vector<1x1024xf32>
    %iota3A = tpu.iota {dimensions = array<i32: 1>} : vector<576x1024xi32>
    %convert_element_type3A_32 = arith.sitofp %iota3A : vector<576x1024xi32> to vector<576x1024xf32>
    %get3A_33 = arith.index_cast %select_n3A_17 : i32 to index
    %get3A_34 = arith.constant 0 : index
    %get3A_35 = arith.constant 0 : index
    %get3A_36 = arith.constant 0 : index
    %get3A_37 = vector.load %arg10[%get3A_33, %get3A_34, %get3A_35, %get3A_36] : memref<2x2x64x576xf32, #tpu.memory_space<vmem>>, vector<1x1x64x576xf32>
    %get3A_38 = vector.shape_cast %get3A_37 : vector<1x1x64x576xf32> to vector<64x576xf32>
    %mul3A_39 = arith.mulf %get3A_38, %get3A_38 : vector<64x576xf32>
    %reduce_sum3A_40 = arith.constant dense<0.000000e+00> : vector<576xf32>
    %reduce_sum3A_41 = vector.multi_reduction <add>, %mul3A_39, %reduce_sum3A_40 [0] : vector<64x576xf32> to vector<576xf32>
    %broadcast_in_dim3A_42 = vector.shape_cast %reduce_sum3A_41 : vector<576xf32> to vector<1x576xf32>
    %reshape3A = vector.shape_cast %broadcast_in_dim3A_42 : vector<1x576xf32> to vector<576x1xf32>
    %dot_general3A = arith.constant dense<0.000000e+00> : vector<576x1024xf32>
    %dot_general3A_43 = tpu.matmul %get3A_38, %get3A_30, %dot_general3A {dimension_numbers = #tpu.dot_dimension_numbers<[0], [0], [1], [1], [0, 1, 1, 1], [], []>, transpose_lhs_hint = false} : vector<64x576xf32>, vector<64x1024xf32>, vector<576x1024xf32> -> vector<576x1024xf32>
    %mul3A_44 = arith.constant 2.000000e+00 : f32
    %mul3A_45 = vector.broadcast %mul3A_44 : f32 to vector<576x1024xf32>
    %mul3A_46 = arith.mulf %mul3A_45, %dot_general3A_43 : vector<576x1024xf32>
    %sub3A = vector.broadcast %reshape3A : vector<576x1xf32> to vector<576x1024xf32>
    %sub3A_47 = arith.subf %sub3A, %mul3A_46 : vector<576x1024xf32>
    %add3A_48 = vector.broadcast %broadcast_in_dim3A : vector<1x1024xf32> to vector<576x1024xf32>
    %add3A_49 = arith.addf %sub3A_47, %add3A_48 : vector<576x1024xf32>
    %swap3A = arith.constant 0 : index
    %swap3A_50 = arith.constant 0 : index
    %swap3A_51 = vector.load %arg3[%swap3A, %swap3A_50] : memref<1152x1024xf32, #tpu.memory_space<vmem>>, vector<576x1024xf32>
    tpu.vector_store %arg3[%swap3A, %swap3A_50], %add3A_49 {strides = array<i32>} : memref<1152x1024xf32, #tpu.memory_space<vmem>>, vector<576x1024xf32>,
    %reduce_min3A = arith.constant dense<0x7F800000> : vector<576xf32>
    %reduce_min3A_52 = vector.multi_reduction <minimumf>, %add3A_49, %reduce_min3A [1] : vector<576x1024xf32> to vector<576xf32>
    %broadcast_in_dim3A_53 = vector.shape_cast %reduce_min3A_52 : vector<576xf32> to vector<576x1xf32>
    %eq3A_54 = vector.broadcast %broadcast_in_dim3A_53 : vector<576x1xf32> to vector<576x1024xf32>
    %eq3A_55 = arith.cmpf oeq, %add3A_49, %eq3A_54 : vector<576x1024xf32>
    %jit3A_56 = arith.constant 2.048000e+03 : f32
    %broadcast_in_dim3A_57 = vector.broadcast %jit3A_56 : f32 to vector<576x1024xf32>
    %select_n3A_58 = arith.select %eq3A_55, %convert_element_type3A_32, %broadcast_in_dim3A_57 : vector<576x1024xi1>, vector<576x1024xf32>
    %reduce_min3A_59 = arith.constant dense<0x7F800000> : vector<576xf32>
    %reduce_min3A_60 = vector.multi_reduction <minimumf>, %select_n3A_58, %reduce_min3A_59 [1] : vector<576x1024xf32> to vector<576xf32>
    %broadcast_in_dim3A_61 = vector.shape_cast %reduce_min3A_60 : vector<576xf32> to vector<576x1xf32>
    %convert_element_type3A_62 = arith.fptosi %broadcast_in_dim3A_61 : vector<576x1xf32> to vector<576x1xi32>
    %reshape3A_63 = vector.shape_cast %convert_element_type3A_62 : vector<576x1xi32> to vector<1x576xi32>
    %swap3A_64 = arith.constant 0 : index
    %swap3A_65 = arith.constant 0 : index
    %swap3A_66 = arith.constant 0 : index
    %swap3A_67 = vector.load %arg4[%swap3A_64, %swap3A_65, %swap3A_66] : memref<1x1x1152xi32, #tpu.memory_space<vmem>>, vector<1x1x576xi32>
    %swap3A_68 = vector.shape_cast %swap3A_67 : vector<1x1x576xi32> to vector<1x576xi32>
    %swap3A_69 = vector.shape_cast %reshape3A_63 : vector<1x576xi32> to vector<1x1x576xi32>
    tpu.vector_store %arg4[%swap3A_64, %swap3A_65, %swap3A_66], %swap3A_69 {strides = array<i32>} : memref<1x1x1152xi32, #tpu.memory_space<vmem>>, vector<1x1x576xi32>,
    %eq3A_70 = vector.broadcast %broadcast_in_dim3A_61 : vector<576x1xf32> to vector<576x1024xf32>
    %eq3A_71 = arith.cmpf oeq, %convert_element_type3A_32, %eq3A_70 : vector<576x1024xf32>
    %jit3A_72 = arith.constant 1.000000e+00 : f32
    %jit3A_73 = arith.constant 0.000000e+00 : f32
    %broadcast_in_dim3A_74 = vector.broadcast %jit3A_72 : f32 to vector<576x1024xf32>
    %broadcast_in_dim3A_75 = vector.broadcast %jit3A_73 : f32 to vector<576x1024xf32>
    %select_n3A_76 = arith.select %eq3A_71, %broadcast_in_dim3A_74, %broadcast_in_dim3A_75 : vector<576x1024xi1>, vector<576x1024xf32>
    %swap3A_77 = arith.constant 0 : index
    %swap3A_78 = arith.constant 0 : index
    %swap3A_79 = vector.load %arg5[%swap3A_77, %swap3A_78] : memref<1152x1024xf32, #tpu.memory_space<vmem>>, vector<576x1024xf32>
    tpu.vector_store %arg5[%swap3A_77, %swap3A_78], %select_n3A_76 {strides = array<i32>} : memref<1152x1024xf32, #tpu.memory_space<vmem>>, vector<576x1024xf32>,
    %get3A_80 = arith.constant 0 : index
    %get3A_81 = arith.constant 0 : index
    %get3A_82 = vector.load %arg8[%get3A_80, %get3A_81] : memref<1x1024xf32, #tpu.memory_space<vmem>>, vector<1x1024xf32>
    %reduce_sum3A_83 = arith.constant dense<0.000000e+00> : vector<1024xf32>
    %reduce_sum3A_84 = vector.multi_reduction <add>, %select_n3A_76, %reduce_sum3A_83 [0] : vector<576x1024xf32> to vector<1024xf32>
    %broadcast_in_dim3A_85 = vector.shape_cast %reduce_sum3A_84 : vector<1024xf32> to vector<1x1024xf32>
    %add3A_86 = arith.addf %get3A_82, %broadcast_in_dim3A_85 : vector<1x1024xf32>
    %swap3A_87 = arith.constant 0 : index
    %swap3A_88 = arith.constant 0 : index
    %swap3A_89 = vector.load %arg8[%swap3A_87, %swap3A_88] : memref<1x1024xf32, #tpu.memory_space<vmem>>, vector<1x1024xf32>
    tpu.vector_store %arg8[%swap3A_87, %swap3A_88], %add3A_86 {strides = array<i32>} : memref<1x1024xf32, #tpu.memory_space<vmem>>, vector<1x1024xf32>,
    %get3A_90 = arith.constant 0 : index
    %get3A_91 = memref.load %arg9[%get3A_90] : memref<1xf32, #tpu.memory_space<smem>>
    %reduce_sum3A_92 = vector.shape_cast %broadcast_in_dim3A_53 : vector<576x1xf32> to vector<1x576x1xf32>
    %reduce_sum3A_93 = arith.constant dense<0.000000e+00> : vector<1xf32>
    %reduce_sum3A_94 = vector.multi_reduction <add>, %reduce_sum3A_92, %reduce_sum3A_93 [1, 2] : vector<1x576x1xf32> to vector<1xf32>
    %reduce_sum3A_95 = vector.shape_cast %reduce_sum3A_94 : vector<1xf32> to vector<1x1x1xf32>
    %reduce_sum3A_96 = vector.extract %reduce_sum3A_95[0, 0, 0] : f32 from vector<1x1x1xf32>
    %add3A_97 = arith.addf %get3A_91, %reduce_sum3A_96 : f32
    %swap3A_98 = arith.constant 0 : index
    %swap3A_99 = memref.load %arg9[%swap3A_98] : memref<1xf32, #tpu.memory_space<smem>>
    memref.store %add3A_97, %arg9[%swap3A_98] : memref<1xf32, #tpu.memory_space<smem>>
    %get3A_100 = arith.index_cast %select_n3A_17 : i32 to index
    %get3A_101 = arith.constant 1 : index
    %get3A_102 = arith.constant 0 : index
    %get3A_103 = arith.constant 0 : index
    %get3A_104 = vector.load %arg10[%get3A_100, %get3A_101, %get3A_102, %get3A_103] : memref<2x2x64x576xf32, #tpu.memory_space<vmem>>, vector<1x1x64x576xf32>
    %get3A_105 = vector.shape_cast %get3A_104 : vector<1x1x64x576xf32> to vector<64x576xf32>
    %mul3A_106 = arith.mulf %get3A_105, %get3A_105 : vector<64x576xf32>
    %reduce_sum3A_107 = arith.constant dense<0.000000e+00> : vector<576xf32>
    %reduce_sum3A_108 = vector.multi_reduction <add>, %mul3A_106, %reduce_sum3A_107 [0] : vector<64x576xf32> to vector<576xf32>
    %broadcast_in_dim3A_109 = vector.shape_cast %reduce_sum3A_108 : vector<576xf32> to vector<1x576xf32>
    %reshape3A_110 = vector.shape_cast %broadcast_in_dim3A_109 : vector<1x576xf32> to vector<576x1xf32>
    %dot_general3A_111 = arith.constant dense<0.000000e+00> : vector<576x1024xf32>
    %dot_general3A_112 = tpu.matmul %get3A_105, %get3A_30, %dot_general3A_111 {dimension_numbers = #tpu.dot_dimension_numbers<[0], [0], [1], [1], [0, 1, 1, 1], [], []>, transpose_lhs_hint = false} : vector<64x576xf32>, vector<64x1024xf32>, vector<576x1024xf32> -> vector<576x1024xf32>
    %mul3A_113 = arith.constant 2.000000e+00 : f32
    %mul3A_114 = vector.broadcast %mul3A_113 : f32 to vector<576x1024xf32>
    %mul3A_115 = arith.mulf %mul3A_114, %dot_general3A_112 : vector<576x1024xf32>
    %sub3A_116 = vector.broadcast %reshape3A_110 : vector<576x1xf32> to vector<576x1024xf32>
    %sub3A_117 = arith.subf %sub3A_116, %mul3A_115 : vector<576x1024xf32>
    %add3A_118 = vector.broadcast %broadcast_in_dim3A : vector<1x1024xf32> to vector<576x1024xf32>
    %add3A_119 = arith.addf %sub3A_117, %add3A_118 : vector<576x1024xf32>
    %swap3A_120 = arith.constant 576 : index
    %swap3A_121 = arith.constant 0 : index
    %swap3A_122 = vector.load %arg3[%swap3A_120, %swap3A_121] : memref<1152x1024xf32, #tpu.memory_space<vmem>>, vector<576x1024xf32>
    tpu.vector_store %arg3[%swap3A_120, %swap3A_121], %add3A_119 {strides = array<i32>} : memref<1152x1024xf32, #tpu.memory_space<vmem>>, vector<576x1024xf32>,
    %reduce_min3A_123 = arith.constant dense<0x7F800000> : vector<576xf32>
    %reduce_min3A_124 = vector.multi_reduction <minimumf>, %add3A_119, %reduce_min3A_123 [1] : vector<576x1024xf32> to vector<576xf32>
    %broadcast_in_dim3A_125 = vector.shape_cast %reduce_min3A_124 : vector<576xf32> to vector<576x1xf32>
    %eq3A_126 = vector.broadcast %broadcast_in_dim3A_125 : vector<576x1xf32> to vector<576x1024xf32>
    %eq3A_127 = arith.cmpf oeq, %add3A_119, %eq3A_126 : vector<576x1024xf32>
    %jit3A_128 = arith.constant 2.048000e+03 : f32
    %broadcast_in_dim3A_129 = vector.broadcast %jit3A_128 : f32 to vector<576x1024xf32>
    %select_n3A_130 = arith.select %eq3A_127, %convert_element_type3A_32, %broadcast_in_dim3A_129 : vector<576x1024xi1>, vector<576x1024xf32>
    %reduce_min3A_131 = arith.constant dense<0x7F800000> : vector<576xf32>
    %reduce_min3A_132 = vector.multi_reduction <minimumf>, %select_n3A_130, %reduce_min3A_131 [1] : vector<576x1024xf32> to vector<576xf32>
    %broadcast_in_dim3A_133 = vector.shape_cast %reduce_min3A_132 : vector<576xf32> to vector<576x1xf32>
    %convert_element_type3A_134 = arith.fptosi %broadcast_in_dim3A_133 : vector<576x1xf32> to vector<576x1xi32>
    %reshape3A_135 = vector.shape_cast %convert_element_type3A_134 : vector<576x1xi32> to vector<1x576xi32>
    %swap3A_136 = arith.constant 0 : index
    %swap3A_137 = arith.constant 0 : index
    %swap3A_138 = arith.constant 576 : index
    %swap3A_139 = vector.load %arg4[%swap3A_136, %swap3A_137, %swap3A_138] : memref<1x1x1152xi32, #tpu.memory_space<vmem>>, vector<1x1x576xi32>
    %swap3A_140 = vector.shape_cast %swap3A_139 : vector<1x1x576xi32> to vector<1x576xi32>
    %swap3A_141 = vector.shape_cast %reshape3A_135 : vector<1x576xi32> to vector<1x1x576xi32>
    tpu.vector_store %arg4[%swap3A_136, %swap3A_137, %swap3A_138], %swap3A_141 {strides = array<i32>} : memref<1x1x1152xi32, #tpu.memory_space<vmem>>, vector<1x1x576xi32>,
    %eq3A_142 = vector.broadcast %broadcast_in_dim3A_133 : vector<576x1xf32> to vector<576x1024xf32>
    %eq3A_143 = arith.cmpf oeq, %convert_element_type3A_32, %eq3A_142 : vector<576x1024xf32>
    %jit3A_144 = arith.constant 1.000000e+00 : f32
    %jit3A_145 = arith.constant 0.000000e+00 : f32
    %broadcast_in_dim3A_146 = vector.broadcast %jit3A_144 : f32 to vector<576x1024xf32>
    %broadcast_in_dim3A_147 = vector.broadcast %jit3A_145 : f32 to vector<576x1024xf32>
    %select_n3A_148 = arith.select %eq3A_143, %broadcast_in_dim3A_146, %broadcast_in_dim3A_147 : vector<576x1024xi1>, vector<576x1024xf32>
    %swap3A_149 = arith.constant 576 : index
    %swap3A_150 = arith.constant 0 : index
    %swap3A_151 = vector.load %arg5[%swap3A_149, %swap3A_150] : memref<1152x1024xf32, #tpu.memory_space<vmem>>, vector<576x1024xf32>
    tpu.vector_store %arg5[%swap3A_149, %swap3A_150], %select_n3A_148 {strides = array<i32>} : memref<1152x1024xf32, #tpu.memory_space<vmem>>, vector<576x1024xf32>,
    %get3A_152 = arith.constant 0 : index
    %get3A_153 = arith.constant 0 : index
    %get3A_154 = vector.load %arg8[%get3A_152, %get3A_153] : memref<1x1024xf32, #tpu.memory_space<vmem>>, vector<1x1024xf32>
    %reduce_sum3A_155 = arith.constant dense<0.000000e+00> : vector<1024xf32>
    %reduce_sum3A_156 = vector.multi_reduction <add>, %select_n3A_148, %reduce_sum3A_155 [0] : vector<576x1024xf32> to vector<1024xf32>
    %broadcast_in_dim3A_157 = vector.shape_cast %reduce_sum3A_156 : vector<1024xf32> to vector<1x1024xf32>
    %add3A_158 = arith.addf %get3A_154, %broadcast_in_dim3A_157 : vector<1x1024xf32>
    %swap3A_159 = arith.constant 0 : index
    %swap3A_160 = arith.constant 0 : index
    %swap3A_161 = vector.load %arg8[%swap3A_159, %swap3A_160] : memref<1x1024xf32, #tpu.memory_space<vmem>>, vector<1x1024xf32>
    tpu.vector_store %arg8[%swap3A_159, %swap3A_160], %add3A_158 {strides = array<i32>} : memref<1x1024xf32, #tpu.memory_space<vmem>>, vector<1x1024xf32>,
    %get3A_162 = arith.constant 0 : index
    %get3A_163 = memref.load %arg9[%get3A_162] : memref<1xf32, #tpu.memory_space<smem>>
    %reduce_sum3A_164 = vector.shape_cast %broadcast_in_dim3A_125 : vector<576x1xf32> to vector<1x576x1xf32>
    %reduce_sum3A_165 = arith.constant dense<0.000000e+00> : vector<1xf32>
    %reduce_sum3A_166 = vector.multi_reduction <add>, %reduce_sum3A_164, %reduce_sum3A_165 [1, 2] : vector<1x576x1xf32> to vector<1xf32>
    %reduce_sum3A_167 = vector.shape_cast %reduce_sum3A_166 : vector<1xf32> to vector<1x1x1xf32>
    %reduce_sum3A_168 = vector.extract %reduce_sum3A_167[0, 0, 0] : f32 from vector<1x1x1xf32>
    %add3A_169 = arith.addf %get3A_163, %reduce_sum3A_168 : f32
    %swap3A_170 = arith.constant 0 : index
    %swap3A_171 = memref.load %arg9[%swap3A_170] : memref<1xf32, #tpu.memory_space<smem>>
    memref.store %add3A_169, %arg9[%swap3A_170] : memref<1xf32, #tpu.memory_space<smem>>
    %eq3A_172 = arith.constant 15 : i32
    %eq3A_173 = arith.cmpi eq, %arg0, %eq3A_172 : i32
    %convert_element_type3A_174 = arith.extui %eq3A_173 : i1 to i32
    %cond3A_175 = arith.constant 0 : i32
    %cond3A_176 = arith.cmpi ne, %convert_element_type3A_174, %cond3A_175 : i32
    scf.if %cond3A_176 {
      %get3A_177 = arith.constant 0 : index
      %get3A_178 = memref.load %arg9[%get3A_177] : memref<1xf32, #tpu.memory_space<smem>>
      %div3A = arith.constant 0x49900000 : f32
      %div3A_179 = arith.divf %get3A_178, %div3A : f32
      %mul3A_180 = arith.constant 1.250000e+00 : f32
      %mul3A_181 = arith.mulf %mul3A_180, %div3A_179 : f32
      %swap3A_182 = arith.constant 0 : index
      %swap3A_183 = arith.constant 0 : index
      %swap3A_184 = memref.load %arg6[%swap3A_182, %swap3A_183] : memref<1x1xf32, #tpu.memory_space<smem>>
      memref.store %mul3A_181, %arg6[%swap3A_182, %swap3A_183] : memref<1x1xf32, #tpu.memory_space<smem>>
      %get3A_185 = arith.constant 0 : index
      %get3A_186 = arith.constant 0 : index
      %get3A_187 = vector.load %arg8[%get3A_185, %get3A_186] : memref<1x1024xf32, #tpu.memory_space<vmem>>, vector<1x1024xf32>
      %mul3A_188 = arith.constant 5.42534726E-5 : f32
      %mul3A_189 = vector.broadcast %mul3A_188 : f32 to vector<1x1024xf32>
      %mul3A_190 = arith.mulf %get3A_187, %mul3A_189 : vector<1x1024xf32>
      %add3A_191 = arith.constant 1.000000e-10 : f32
      %add3A_192 = vector.broadcast %add3A_191 : f32 to vector<1x1024xf32>
      %add3A_193 = arith.addf %mul3A_190, %add3A_192 : vector<1x1024xf32>
      %log3A = math.log %add3A_193 : vector<1x1024xf32>
      %mul3A_194 = arith.mulf %mul3A_190, %log3A : vector<1x1024xf32>
      %reduce_sum3A_195 = vector.shape_cast %mul3A_194 : vector<1x1024xf32> to vector<1x1x1024xf32>
      %reduce_sum3A_196 = arith.constant dense<0.000000e+00> : vector<1xf32>
      %reduce_sum3A_197 = vector.multi_reduction <add>, %reduce_sum3A_195, %reduce_sum3A_196 [1, 2] : vector<1x1x1024xf32> to vector<1xf32>
      %reduce_sum3A_198 = vector.shape_cast %reduce_sum3A_197 : vector<1xf32> to vector<1x1x1xf32>
      %reduce_sum3A_199 = vector.extract %reduce_sum3A_198[0, 0, 0] : f32 from vector<1x1x1xf32>
      %neg3A = arith.constant 0.000000e+00 : f32
      %neg3A_200 = arith.subf %neg3A, %reduce_sum3A_199 : f32
      %exp3A = math.exp %neg3A_200 : f32
      %swap3A_201 = arith.constant 0 : index
      %swap3A_202 = arith.constant 0 : index
      %swap3A_203 = memref.load %arg7[%swap3A_201, %swap3A_202] : memref<1x1xf32, #tpu.memory_space<smem>>
      memref.store %exp3A, %arg7[%swap3A_201, %swap3A_202] : memref<1x1xf32, #tpu.memory_space<smem>>
    } else {
    }
    return
  }
  func.func @transform_1(%arg0: i32) -> (i32, i32) {
    %c0_i32 = arith.constant 0 : i32
    %c0_i32_0 = arith.constant 0 : i32
    %c0_i32_1 = arith.constant 0 : i32
    return %c0_i32, %c0_i32_0 : i32, i32
  }
  func.func @transform_2(%arg0: i32) -> (i32, i32) {
    %c0_i32 = arith.constant 0 : i32
    %c0_i32_0 = arith.constant 0 : i32
    return %arg0, %c0_i32 : i32, i32
  }
  func.func @transform_3(%arg0: i32) -> (i32, i32, i32) {
    %c0_i32 = arith.constant 0 : i32
    %c0_i32_0 = arith.constant 0 : i32
    %c0_i32_1 = arith.constant 0 : i32
    return %arg0, %c0_i32, %c0_i32_0 : i32, i32, i32
  }
  func.func @transform_4(%arg0: i32) -> (i32, i32) {
    %c0_i32 = arith.constant 0 : i32
    %c0_i32_0 = arith.constant 0 : i32
    return %arg0, %c0_i32 : i32, i32
  }
  func.func @transform_5(%arg0: i32) -> (i32, i32) {
    %c0_i32 = arith.constant 0 : i32
    %c0_i32_0 = arith.constant 0 : i32
    %c0_i32_1 = arith.constant 0 : i32
    return %c0_i32, %c0_i32_0 : i32, i32
  }
  func.func @transform_6(%arg0: i32) -> (i32, i32) {
    %c0_i32 = arith.constant 0 : i32
    %c0_i32_0 = arith.constant 0 : i32
    %c0_i32_1 = arith.constant 0 : i32
    return %c0_i32, %c0_i32_0 : i32, i32
  }
}

</mosaic_0001>

<sc_bundles>
// kernel: kernel.4.cloned.1.call-start
scs
__scs_entry_jumppad:
0x0: {  	(pc) =	sbr.rel $0x88, $3  }
0x1: {  	(tag) =	ssettag $0x0;
	lr =	simm.s32 $0x1  }
0x2: {  	[smem:$0x3F9F] =	sst lr;
	_ =	strace $0xD0000000  }
0x3: {  	_ = 	snop  }
0x4: {  	_ = 	snop  }
0x5: {  	_ = 	snop  }
0x6: {  	_ = 	snop  }
0x7: {  	_ = 	snop  }
__scs_overlays_trampoline_lowered:
0x8: {  	[smem:$0x3FAE] =	sst s0  }
0x9: {  	[smem:$0x3FAF] =	sst s1  }
0xa: {  	[smem:$0x3FB0] =	sst s2  }
0xb: {  	[smem:$0x3FB1] =	sst s3  }
0xc: {  	[smem:$0x3FB2] =	sst s4  }
0xd: {  	[smem:$0x3FB3] =	sst s5  }
0xe: {  	[smem:$0x3FB4] =	sst s6  }
0xf: {  	[smem:$0x3FB5] =	sst s7  }
0x10: {  	[smem:$0x3FB6] =	sst s8  }
0x11: {  	[smem:$0x3FB7] =	sst s9;
	s0 =	simm.s32 @!p0 $0x0  }
0x12: {  	s1 =	sld [smem:$0x3F9D];
	s0 =	simm.s32 @p0 $0x1  }
0x13: {  	[smem:$0x3FB8] =	sst s0;
	s0 =	simm.s32 @!p1 $0x0  }
0x14: {  	s2 =	sld [smem:$0x3F9C];
	s0 =	simm.s32 @p1 $0x1  }
0x15: {  	[smem:$0x3FB9] =	sst s0;
	s0 =	simm.s32 @!p2 $0x0  }
0x16: {  	s3 =	sld [smem:$0x3FDB];
	s0 =	simm.s32 @p2 $0x1  }
0x17: {  	s4 =	simm.s32 $0x1BF5;
	[smem:$0x3FBB] =	sst s0  }
0x18: {  	s0 =	sld [smem:$0x3F9E];
	_ =	swait.ge [sflag:s4], $0x0  }
0x19: {  	s7 =	sld [smem:$0x3F9F]  }
0x1a: {  	s8 =	sadd.s32 $0xFFFFE003, lr  }
0x1b: {  	s9 =	sadd.s32 $0xFFFFFEF7, lr;
	s5 =	simm.s32 $0xFFFFFFFF;
	p2 =	slt.u32 s8, $0xFFFFF086  }
0x1c: {  	p1 =	slt.u32 s9, $0xF7A;
	s5 =	simm.s32 @!p2 $0x0  }
0x1d: {  	s5 =	simm.s32 @p1 $0x1;
	p0 =	seq.s32 s7, s2  }
0x1e: {  	s7 =	smul.u32 @!p0 $0xF7A, s2;
	p2 =	seq.s32 @!p0 s5, $0x0  }
0x1f: {  	s9 =	smul.u32 $0xF7A, s1;
	s8 =	simm.s32 @!p0 $0x1BF5;
	p2 =	por !p2, p0  }
0x20: {  	[sflag:s8] =	ssyncset.s32 @!p0 $0xFFFFF086;
	s6 =	sadd.s32 @!p0 s3, s7;
	s7 =	simm.s32 @!p0 $0x108  }
0x21: {  	s3 =	sadd.s32 s3, s9;
	s6 =	sadd.s32 @!p0 $0x88, s6;
	s7 =	simm.s32 @p2 $0x1082  }
0x22: {  	[simem:s7], [sflag:s8] =	dma.local @!p0 [hbm:s6], $0xF7A  }
0x23: {  	s9 =	sor.u32 $0xD0000000, s2;
	s6 =	simm.s32 $0x108;
	_ =	swait.ge @!p0 [sflag:s8], $0x0  }
0x24: {  	s3 =	sadd.s32 $0x88, s3;
	s6 =	simm.s32 @!p1 $0x1082;
	[sflag:s4] =	ssyncset.s32 $0xFFFFF086  }
0x25: {  	[simem:s6], [sflag:s4] =	dma.local [hbm:s3], $0xF7A  }
0x26: {  	[smem:$0x3F9F] =	sst s1;
	(tag) =	ssettag s2;
	_ =	strace s9  }
0x27: {  	s1 =	sld [smem:$0x3FAF]  }
0x28: {  	s2 =	sld [smem:$0x3FB0]  }
0x29: {  	s4 =	sld [smem:$0x3FB2]  }
0x2a: {  	p0 =	seq.s32 s5, $0x0;
	s5 =	sld [smem:$0x3FB3]  }
0x2b: {  	s6 =	sld [smem:$0x3FB4]  }
0x2c: {  	s7 =	sld [smem:$0x3FB5]  }
0x2d: {  	s3 =	simm.s32 $0x108;
	s8 =	sld [smem:$0x3FB6]  }
0x2e: {  	s3 =	simm.s32 @!p0 $0x1082;
	s9 =	sld [smem:$0x3FB7]  }
0x2f: {  	lr =	sadd.s32 s0, s3;
	s0 =	sld [smem:$0x3FAE]  }
0x30: {  	s3 =	sld [smem:$0x3FB1]  }
0x31: {  	[smem:$0x3FBA] =	sst s10  }
0x32: {  	s10 =	sld [smem:$0x3FB8];
	_ =	sdelay $0x3  }
0x33: {  	p0 =	seq.s32 s10, $0x1;
	s10 =	sld [smem:$0x3FBA];
	_ =	sdelay $0x3  }
0x34: {  	[smem:$0x3FBA] =	sst s10  }
0x35: {  	s10 =	sld [smem:$0x3FB9];
	_ =	sdelay $0x3  }
0x36: {  	p1 =	seq.s32 s10, $0x1;
	s10 =	sld [smem:$0x3FBA];
	_ =	sdelay $0x3  }
0x37: {  	[smem:$0x3FBA] =	sst s10  }
0x38: {  	s10 =	sld [smem:$0x3FBB]  }
0x39: {  	_ = 	snop;
	(pc) =	sbr.ind lr, $3  }
0x3a: {  	_ = 	snop  }
0x3b: {  	_ = 	snop  }
0x3c: {  	p2 =	seq.s32 s10, $0x1;
	s10 =	sld [smem:$0x3FBA]  }
0x3d: {  	_ =	shalt  }
0x3e: {  	_ =	shalt  }
0x3f: {  	_ =	shalt  }
0x40: {  	_ =	shalt  }
0x41: {  	_ =	shalt  }
0x42: {  	_ =	shalt  }
0x43: {  	_ =	shalt  }
0x44: {  	_ =	shalt  }
0x45: {  	_ =	shalt  }
0x46: {  	_ =	shalt  }
0x47: {  	_ =	shalt  }
0x48: {  	_ =	shalt  }
0x49: {  	_ =	shalt  }
0x4a: {  	_ =	shalt  }
0x4b: {  	_ =	shalt  }
0x4c: {  	_ =	shalt  }
0x4d: {  	_ =	shalt  }
0x4e: {  	_ =	shalt  }
0x4f: {  	_ =	shalt  }
0x50: {  	_ =	shalt  }
0x51: {  	_ =	shalt  }
0x52: {  	_ =	shalt  }
0x53: {  	_ =	shalt  }
0x54: {  	_ =	shalt  }
0x55: {  	_ =	shalt  }
0x56: {  	_ =	shalt  }
0x57: {  	_ =	shalt  }
0x58: {  	_ =	shalt  }
0x59: {  	_ =	shalt  }
0x5a: {  	_ =	shalt  }
0x5b: {  	_ =	shalt  }
0x5c: {  	_ =	shalt  }
0x5d: {  	_ =	shalt  }
0x5e: {  	_ =	shalt  }
0x5f: {  	_ =	shalt  }
0x60: {  	_ =	shalt  }
0x61: {  	_ =	shalt  }
0x62: {  	_ =	shalt  }
0x63: {  	_ =	shalt  }
0x64: {  	_ =	shalt  }
0x65: {  	_ =	shalt  }
0x66: {  	_ =	shalt  }
0x67: {  	_ =	shalt  }
0x68: {  	_ =	shalt  }
0x69: {  	_ =	shalt  }
0x6a: {  	_ =	shalt  }
0x6b: {  	_ =	shalt  }
0x6c: {  	_ =	shalt  }
0x6d: {  	_ =	shalt  }
0x6e: {  	_ =	shalt  }
0x6f: {  	_ =	shalt  }
0x70: {  	_ =	shalt  }
0x71: {  	_ =	shalt  }
0x72: {  	_ =	shalt  }
0x73: {  	_ =	shalt  }
0x74: {  	_ =	shalt  }
0x75: {  	_ =	shalt  }
0x76: {  	_ =	shalt  }
0x77: {  	_ =	shalt  }
0x78: {  	_ =	shalt  }
0x79: {  	_ =	shalt  }
0x7a: {  	_ =	shalt  }
0x7b: {  	_ =	shalt  }
0x7c: {  	_ =	shalt  }
0x7d: {  	_ =	shalt  }
0x7e: {  	_ =	shalt  }
0x7f: {  	_ =	shalt  }
0x80: {  	_ =	shalt  }
0x81: {  	_ =	shalt  }
0x82: {  	_ =	shalt  }
0x83: {  	_ =	shalt  }
0x84: {  	_ =	shalt  }
0x85: {  	_ =	shalt  }
0x86: {  	_ =	shalt  }
0x87: {  	_ =	shalt  }
.Lfunc_end0:
.L_simem_size_0:
called_computation_lowered:
.L_overlay_start_0:
0x88: {  	s2 =	sld [smem:$0x3FD9]  }
0x89: {  	s3 =	sld [smem:$0x3FFE];
	_ =	sdelay $0x1  }
0x8a: {  	s1 =	srdreg.scid  }
0x8b: {  	s0 =	sand.u32 $0x1, s1  }
0x8c: {  	s14 =	sshll.u32 s0, $0xA;
	s2 =	sadd.s32 s3, s2  }
0x8d: {  	s2 =	sadd.s32 s2, s14  }
0x8e: {  	[smem:$0x3FC6] =	sst s2  }
0x8f: {  	_ = 	snop  }
0x90: {  	s2 =	sld [smem:$0x3FD0];
	_ =	sdelay $0x2  }
0x91: {  	s15 =	simm.s32 $0xA;
	s4 =	simm.s32 $0x10  }
0x92: {  	[smem:s4], [sflag:s15] =	dma.local [hbm:s2], $0x1  }
0x93: {  	_ =	swait.eq [sflag:s15], $0x1  }
0x94: {  	[sflag:s15] =	ssyncset.done $0x0  }
0x95: {  	[sflag:s15] =	ssyncadd.s32 $0xFFFFFFFF  }
0x96: {  	s16 =	sld [smem:$0x10];
	(tm) =	ssettm $0x1  }
0x97: {  	s17 =	sld [smem:$0x3FFB];
	_ =	sdelay $0x3  }
0x98: {  	_ =	strace s17  }
0x99: {  	s3 =	sld [smem:$0x3FFC];
	_ =	sdelay $0x3  }
0x9a: {  	_ =	strace s3  }
0x9b: {  	s3 =	sld [smem:$0x3FFD];
	_ =	sdelay $0x3  }
0x9c: {  	_ =	strace s3  }
0x9d: {  	_ =	strace $0x8FFFFFFF  }
0x9e: {  	s18 =	sld [smem:$0x3FDB];
	_ =	sdelay $0x1  }
0x9f: {  	s19 =	simm.s32 $_scs_section_size  }
0xa0: {  	s5 =	simm.s32 $_size__tile_overlayer_lowered;
	s6 =	simm.s32 $_tile_overlayer_lowered  }
0xa1: {  	s22 =	simm.s32 $0x1BFF;
	s21 =	sshll.u32 s6, $0x1;
	s3 =	sadd.s32 s19, s18  }
0xa2: {  	s7 =	simm.s32 $0x0;
	s20 =	sshll.u32 s5, $0x1;
	s5 =	sadd.s32 s21, s3  }
0xa3: {  	[timem:s7], [sflag:s22] =	dma.local [hbm:s5], s20  }
0xa4: {  	_ =	swait.ge [sflag:s22], s20  }
0xa5: {  	s4 =	ssub.s32 $0x0, s20;
	[sflag:s22] =	ssyncset.done $0x0  }
0xa6: {  	[sflag:s22] =	ssyncadd.s32 s4;
	_ =	sdelay $0x1  }
0xa7: {  	s23 =	simm.s32 $0x1B8B  }
0xa8: {  	_ =	swait.ge [sflag:s23], $0x1  }
0xa9: {  	[sflag:s23] =	ssyncset.done $0x0  }
0xaa: {  	s25 =	simm.s32 $0x1B8E;
	s24 =	sld [smem:$0x3FFE];
	[sflag:s23] =	ssyncadd.s32 $0xFFFFFFFF  }
0xab: {  	s26 =	simm.s32 $execute0_lowered;
	[smem:$0x3FD2] =	sst s25  }
0xac: {  	s5 =	sshll.u32 s26, $0x1;
	_ =	strace $0x80000046;
	[dreg:$0x1] =	wrdreg $0xFFFFFFFF  }
0xad: {  	s28 =	simm.s32 $_size_execute0_lowered;
	s3 =	sadd.s32 s3, s5;
	[dreg:$0x0] =	wrdreg $0x0  }
0xae: {  	s5 =	sshll.u32 s28, $0x1;
	[dreg:$0x2] =	wrdreg s3  }
0xaf: {  	[dreg:$0x3] =	wrdreg s5  }
0xb0: {  	[dreg:$0x4] =	wrdreg $0xC0  }
0xb1: {  	_ =	task [dreg:s7], $0x5FFFF  }
0xb2: {  	[dreg:$0x1] =	wrdreg $0xFFFFFFFF  }
0xb3: {  	[dreg:$0x0] =	wrdreg $0x60  }
0xb4: {  	[dreg:$0x2] =	wrdreg s16  }
0xb5: {  	[dreg:$0x3] =	wrdreg s24  }
0xb6: {  	[dreg:$0x4] =	wrdreg $0x9  }
0xb7: {  	_ =	task.clear_ibuf [dreg:s7], $0x5FFFF;
	_ =	strace $0x90000046  }
0xb8: {  	s29 =	simm.s32 $0x9;
	_ =	strace $0x80000048  }
0xb9: {  	_ =	swait.ge [sflag:s29], $0x1  }
0xba: {  	[sflag:s29] =	ssyncadd.s32 $0xFFFFFFFF  }
0xbb: {  	_ =	strace $0x90000048  }
0xbc: {  	_ =	sfence  }
0xbd: {  	s30 =	sld [smem:$0x0];
	_ =	sdelay $0x2  }
0xbe: {  	s31 =	sshll.u32 s1, $0xD;
	s1 =	sshrl.u32 s1, $0x2  }
0xbf: {  	s3 =	sand.u32 $0x4000, s31;
	s1 =	sadd.s32 s1, s30  }
0xc0: {  	s0 =	sor.u32 s3, s0;
	s1 =	sshll.u32 s1, $0x11  }
0xc1: {  	s0 =	sor.u32 s1, s0  }
0xc2: {  	s0 =	sadd.s32 $0x8F2B, s0  }
0xc3: {  	[sflag:s0] =	ssyncadd.remote.s32 $0x1  }
0xc4: {  	_ =	sfence.sel $0xFFFF  }
0xc5: {  	[dreg:$0x0] =	wrdreg $0xFFFFFFFF;
	(pc) =	sbr.abs _section_cstart, $3  }
0xc6: {  	[dreg:$0x1] =	wrdreg $0xFFFFFFFF  }
0xc7: {  	_ =	task.clear_ibuf [dreg:s7], $0x2FFFF;
	_ =	strace $0x9FFFFFFF  }
0xc8: {  	(tm) =	ssettm $0x7FFFFFFF  }
0xc9: {  	_ =	shalt  }
tec
execute0_lowered:
.L_overlay_start_1:
0x0: {  	(tag) =	ssettag $0x1  }
0x1: {  	s1 =	srdreg.scid;
	s0 =	stileid.u32  }
0x2: {  	s17 =	sand.u32 $0x1, s1;
	s29 =	sshll.u32 s0, $0x1  }
0x3: {  	s2 =	rddreg [dreg:$0x0];
	s18 =	sor.u32 s17, s29  }
0x4: {  	s19 =	rddreg [dreg:$0x1];
	s4 =	smul.u32 $0x48, s18  }
0x5: {  	s3 =	simm.s32 $0x0;
	s1 =	rddreg [dreg:$0x2]  }
0x6: {  	[smem:$0x7FF] =	sst s3;
	s4 =	sadd.s32 s4, s19  }
0x7: {  	_ =	strace $0x80000047;
	s5 =	sadd.s32 $0xA00, s4;
	s4 =	simm.s32 $0x2  }
0x8: {  	[tilespmem:s3], [sflag:$0x2] =	stream.linear.gather [hbm4b:s5+s3], $0x240, $0x38;
	[tilespmem:$0x12280] =	vst v63  }
0x9: {  	_ =	swait.ge [sflag:s4], $0x240  }
0xa: {  	[sflag:s4] =	ssyncset.done $0x0  }
0xb: {  	s6 =	simm.s32 $0x80;
	s7 =	simm.s32 $0x280;
	[sflag:s4] =	ssyncadd.s32 $0xFFFFFDC0  }
0xc: {  	[tilespmem:s7], [sflag:$0x1] =	stream.indirect.gather [hbm4b:s2+s6], $0x80, s3, s6, $0xb8;
	[tilespmem:$0x12280] =	vst v63  }
0xd: {  	s8 =	simm.s32 $0x4280  }
0xe: {  	[tilespmem:s8], [sflag:$0x1] =	stream.indirect.gather [hbm4b:s2+s6], $0x80, s6, s6, $0xb8;
	[tilespmem:$0x12280] =	vst v63  }
0xf: {  	s9 =	simm.s32 $0x100;
	s10 =	simm.s32 $0x8280  }
0x10: {  	[tilespmem:s10], [sflag:$0x1] =	stream.indirect.gather [hbm4b:s2+s6], $0x80, s9, s6, $0xb8;
	[tilespmem:$0x12280] =	vst v63  }
0x11: {  	s11 =	simm.s32 $0x180;
	s12 =	simm.s32 $0xC280;
	s13 =	simm.s32 $0x40  }
0x12: {  	[tilespmem:s12], [sflag:$0x1] =	stream.indirect.gather [hbm4b:s2+s6], $0x80, s11, s6, $0xb8;
	[tilespmem:$0x12280] =	vst v63  }
0x13: {  	s14 =	simm.s32 $0x200;
	s15 =	simm.s32 $0x10280;
	s16 =	simm.s32 $0x1  }
0x14: {  	[tilespmem:s15], [sflag:$0x1] =	stream.indirect.gather [hbm4b:s2+s13], $0x80, s14, s13, $0xb8;
	[tilespmem:$0x12280] =	vst v63  }
0x15: {  	_ =	swait.ge [sflag:s16], $0x4000  }
0x16: {  	[sflag:s16] =	ssyncset.done $0x0  }
0x17: {  	[sflag:s16] =	ssyncadd.s32 $0xFFFFC000  }
0x18: {  	_ =	swait.ge [sflag:s16], $0x4000  }
0x19: {  	[sflag:s16] =	ssyncset.done $0x0  }
0x1a: {  	[sflag:s16] =	ssyncadd.s32 $0xFFFFC000  }
0x1b: {  	_ =	swait.ge [sflag:s16], $0x4000  }
0x1c: {  	[sflag:s16] =	ssyncset.done $0x0  }
0x1d: {  	s17 =	ssub.s32 $0x2, s17;
	[sflag:s16] =	ssyncadd.s32 $0xFFFFC000  }
0x1e: {  	s20 =	sshrl.u32 s17, $0x1;
	_ =	swait.ge [sflag:s16], $0x4000  }
0x1f: {  	s30 =	ssub.s32 s17, s20;
	[sflag:s16] =	ssyncset.done $0x0  }
0x20: {  	s18 =	smul.u32 $0x2400, s18;
	s31 =	smax.u32 s30, $0x1;
	[sflag:s16] =	ssyncadd.s32 $0xFFFFC000  }
0x21: {  	p0 =	sne.s32 s31, $0x1;
	_ =	swait.ge [sflag:s16], $0x2000  }
.Ltmp0:
0x22: {  	s18 =	sadd.s32 s18, s19;
	[sflag:s16] =	ssyncset.done $0x0;
	(pc) =	sbr.rel @!p0 .LBB2_2-.Ltmp0, $4  }
0x23: {  	s17 =	sadd.s32 $0x1400, s18;
	[sflag:s16] =	ssyncadd.s32 $0xFFFFE000  }
0x24: {  	[hbm4b:s17+s3] =	stream.linear.scatter [tilespmem:s7], [sflag:$0x2], $0x12000, $0x38;
	[tilespmem:$0x12280] =	vst v63  }
0x25: {  	_ =	swait.ge [sflag:s4], $0x12000  }
0x26: {  	s18 =	sadd.s32 $0xFFFFFFFF, s31;
	[sflag:s4] =	ssyncset.done $0x0  }
.LBB2_1:
0x27: {  	p0 =	sne.s32 s18, $0x1;
	s18 =	sadd.s32 $0xFFFFFFFF, s18;
	[sflag:s4] =	ssyncadd.s32 $0xFFFEE000  }
0x28: {  	[tilespmem:s3], [sflag:$0x2] =	stream.linear.gather [hbm4b:s5+s3], $0x240, $0x38;
	[tilespmem:$0x12280] =	vst v63  }
0x29: {  	_ =	swait.ge [sflag:s4], $0x240  }
0x2a: {  	[sflag:s4] =	ssyncset.done $0x0  }
0x2b: {  	[sflag:s4] =	ssyncadd.s32 $0xFFFFFDC0  }
0x2c: {  	[tilespmem:s7], [sflag:$0x1] =	stream.indirect.gather [hbm4b:s2+s6], $0x80, s3, s6, $0xb8;
	[tilespmem:$0x12280] =	vst v63  }
0x2d: {  	_ = 	snop  }
0x2e: {  	[tilespmem:s8], [sflag:$0x1] =	stream.indirect.gather [hbm4b:s2+s6], $0x80, s6, s6, $0xb8;
	[tilespmem:$0x12280] =	vst v63  }
0x2f: {  	_ = 	snop  }
0x30: {  	[tilespmem:s10], [sflag:$0x1] =	stream.indirect.gather [hbm4b:s2+s6], $0x80, s9, s6, $0xb8;
	[tilespmem:$0x12280] =	vst v63  }
0x31: {  	_ = 	snop  }
0x32: {  	[tilespmem:s12], [sflag:$0x1] =	stream.indirect.gather [hbm4b:s2+s6], $0x80, s11, s6, $0xb8;
	[tilespmem:$0x12280] =	vst v63  }
0x33: {  	_ = 	snop  }
0x34: {  	[tilespmem:s15], [sflag:$0x1] =	stream.indirect.gather [hbm4b:s2+s13], $0x80, s14, s13, $0xb8;
	[tilespmem:$0x12280] =	vst v63  }
0x35: {  	_ =	swait.ge [sflag:s16], $0x4000  }
0x36: {  	[sflag:s16] =	ssyncset.done $0x0  }
0x37: {  	[sflag:s16] =	ssyncadd.s32 $0xFFFFC000  }
0x38: {  	_ =	swait.ge [sflag:s16], $0x4000  }
0x39: {  	[sflag:s16] =	ssyncset.done $0x0  }
0x3a: {  	[sflag:s16] =	ssyncadd.s32 $0xFFFFC000  }
0x3b: {  	_ =	swait.ge [sflag:s16], $0x4000  }
0x3c: {  	[sflag:s16] =	ssyncset.done $0x0  }
0x3d: {  	[sflag:s16] =	ssyncadd.s32 $0xFFFFC000  }
0x3e: {  	_ =	swait.ge [sflag:s16], $0x4000  }
0x3f: {  	[sflag:s16] =	ssyncset.done $0x0  }
0x40: {  	[sflag:s16] =	ssyncadd.s32 $0xFFFFC000  }
0x41: {  	_ =	swait.ge [sflag:s16], $0x2000  }
.Ltmp1:
0x42: {  	[sflag:s16] =	ssyncset.done $0x0;
	(pc) =	sbr.rel @p0 .LBB2_1-.Ltmp1, $4  }
0x43: {  	[sflag:s16] =	ssyncadd.s32 $0xFFFFE000  }
0x44: {  	[hbm4b:s17+s3] =	stream.linear.scatter [tilespmem:s7], [sflag:$0x2], $0x12000, $0x38;
	[tilespmem:$0x12280] =	vst v63  }
0x45: {  	_ =	swait.ge [sflag:s4], $0x12000  }
0x46: {  	[sflag:s4] =	ssyncset.done $0x0  }
.LBB2_2:
0x47: {  	[sflag:s4] =	ssyncadd.s32 $0xFFFEE000  }
0x48: {  	_ =	sfence.sel $0x180000  }
0x49: {  	[bflag:$0x0] =	sbarrier.arrive $0xFFFF  }
0x4a: {  	p0 =	sne.s32 s0, $0x0;
	_ =	strace $0x90000047  }
0x4b: {  	s0 =	sadd.s32 @!p0 $0x100000, s1;
	[bflag:$0x2] =	sbarrier.arrive $0xFFFF  }
0x4c: {  	[sflag:s0] =	ssyncadd.tile.s32 @!p0 $0x1;
	_ =	shalt  }
.Lfunc_end2:
_tile_overlayer_lowered:
.L_overlay_start_2:
0x4d: {  	(tag) =	ssettag $0x2  }
0x4e: {  	s0 =	rddreg [dreg:$0x0];
	s2 =	stileid.u32  }
0x4f: {  	s1 =	rddreg [dreg:$0x1];
	p0 =	sne.s32 s2, $0x0  }
0x50: {  	s3 =	rddreg [dreg:$0x2];
	[bflag:$0x3] =	sbarrier.arrive $0xFFFF;
	s2 =	simm.s32 @!p0 $0x1C02  }
0x51: {  	[timem:s3], [sflag:s2] =	dma.local @!p0 [hbm:s0], s1  }
0x52: {  	s0 =	simm.s32 @!p0 $0x2  }
0x53: {  	_ =	swait.ge @!p0 [sflag:s0], s1  }
0x54: {  	s1 =	ssub.s32 @!p0 $0x0, s1;
	[sflag:s0] =	ssyncset.done @!p0 $0x0  }
0x55: {  	[sflag:s0] =	ssyncadd.s32 @!p0 s1  }
0x56: {  	[bflag:$0x3] =	sbarrier.arrive $0xFFFF  }
0x57: {  	_ =	shalt  }

</sc_bundles>
